<compile_context>
chip_gen: v7x
topology: tpu7x:2x2x1
jax: 0.10.2.dev20260603
libtpu: 0.0.44.dev20260713+nightly
codegen_flags: <defaults>
</compile_context>

<pallas_src>
import functools

import jax
import jax.numpy as jnp
from jax import lax
from jax.experimental import pallas as pl
from jax.experimental.pallas import tpu as pltpu
from jax.experimental.pallas import tpu_sc as plsc

N = 16384
BP = 1024
TB = 4096
NP = N // BP
NT = N // TB
LOSS_WEIGHT = 1.0

NC = 2
NS = 16
NW = NC * NS
B_PER_W = N // NW
IDX_W = 128
N_STREAM = B_PER_W // IDX_W


def _argmin_kernel(pred_ref, tgt_ref, idx_ref, smin_ref, sidx_ref):
    ip = pl.program_id(0)
    it = pl.program_id(1)

    @pl.when(it == 0)
    def _init():
        smin_ref[...] = jnp.full((BP, 1), jnp.inf, jnp.float32)
        sidx_ref[...] = jnp.zeros((BP, 1), jnp.float32)

    pred_blk = pred_ref[...]
    tgt_blk = tgt_ref[...]

    pc = pred_blk[:, :3] * -2.0
    tc = tgt_blk[:3, :]
    sq = tc * tc
    tn = sq[0:1, :] + sq[1:2, :] + sq[2:3, :]
    dots2 = lax.dot_general(
        pc, tc, (((1,), (0,)), ((), ())),
        preferred_element_type=jnp.float32)
    s = tn + dots2

    col = (lax.broadcasted_iota(jnp.int32, (1, TB), 1)
           + it * TB).astype(jnp.float32)
    sv = s
    iv = None
    while sv.shape[1] > 128:
        w = sv.shape[1] // 2
        sl, sr = sv[:, :w], sv[:, w:]
        mask = sr < sl
        if iv is None:
            iv = jnp.where(mask, col[:, w:], col[:, :w])
        else:
            iv = jnp.where(mask, iv[:, w:], iv[:, :w])
        sv = jnp.minimum(sl, sr)
    m = jnp.min(sv, axis=1, keepdims=True)
    i = jnp.min(jnp.where(sv == m, iv, jnp.float32(3.0e38)),
                axis=1, keepdims=True)

    take = m < smin_ref[...]
    smin_ref[...] = jnp.where(take, m, smin_ref[...])
    sidx_ref[...] = jnp.where(take, i, sidx_ref[...])

    @pl.when(it == NT - 1)
    def _finish():
        idx_ref[...] = jnp.reshape(
            sidx_ref[...].astype(jnp.int32), (1, 1, BP))


def _sc_gather_kernel(idx_hbm, tint_hbm, out_hbm, idx_v, rows_v, sem):
    wid = lax.axis_index("s") * NC + lax.axis_index("c")
    pltpu.sync_copy(idx_hbm.at[wid], idx_v)
    for j in range(N_STREAM):
        pltpu.async_copy(
            tint_hbm.at[idx_v.at[j]],
            rows_v.at[pl.ds(j * IDX_W, IDX_W)], sem).wait()
    pltpu.sync_copy(rows_v, out_hbm.at[pl.ds(wid * B_PER_W, B_PER_W)])


def _reduce_kernel(pred_ref, matched_ref, out_ref):
    diff = pred_ref[...] - matched_ref[...]
    out_ref[...] = jnp.full(
        (1, 1), jnp.sum(diff * diff) * (LOSS_WEIGHT / (8 * N)), jnp.float32)


def kernel(pred, target):
    tgt_t = target.T

    idx = pl.pallas_call(
        _argmin_kernel,
        grid=(NP, NT),
        in_specs=[
            pl.BlockSpec((BP, 4), lambda ip, it: (ip, 0)),
            pl.BlockSpec((4, TB), lambda ip, it: (0, it)),
        ],
        out_specs=pl.BlockSpec((1, 1, BP), lambda ip, it: (ip, 0, 0)),
        out_shape=jax.ShapeDtypeStruct((NP, 1, BP), jnp.int32),
        scratch_shapes=[
            pltpu.VMEM((BP, 1), jnp.float32),
            pltpu.VMEM((BP, 1), jnp.float32),
        ],
        compiler_params=pltpu.CompilerParams(
            dimension_semantics=("arbitrary", "arbitrary")),
    )(pred, tgt_t)

    mesh = plsc.VectorSubcoreMesh(core_axis_name="c", subcore_axis_name="s")
    sc_gather = functools.partial(
        pl.kernel, mesh=mesh,
        out_type=jax.ShapeDtypeStruct((N, 8), jnp.float32),
        scratch_types=[
            pltpu.VMEM((N_STREAM, IDX_W), jnp.int32),
            pltpu.VMEM((B_PER_W, 8), jnp.float32),
            pltpu.SemaphoreType.DMA,
        ],
        compiler_params=pltpu.CompilerParams(use_tc_tiling_on_sc=False),
    )(_sc_gather_kernel)

    tint_table = jnp.broadcast_to(target[:, 3:4], (N, 8))
    matched = sc_gather(jnp.reshape(idx, (NW, N_STREAM, IDX_W)), tint_table)

    pred8 = jnp.reshape(jnp.broadcast_to(pred[:, 3:4], (N, 8)),
                        (N * 8 // 128, 128))
    matched8 = jnp.reshape(matched, (N * 8 // 128, 128))
    out = pl.pallas_call(
        _reduce_kernel,
        out_shape=jax.ShapeDtypeStruct((1, 1), jnp.float32),
    )(pred8, matched8)
    return jnp.reshape(out, ())

# --- scband reference (transcript-rebuilt; emitter-appended) ---
"""Pipeline reference for scband-intensity-loss-89764816486828 (READ-ONLY COPY).

The authoritative reference and input builder live on the scoring server;
editing this copy changes nothing except your own understanding.
"""

import jax, jax.numpy as jnp
import numpy as np

LOSS_WEIGHT = 1.0

def setup_inputs(seed: int = 0) -> dict:
    key = jax.random.key(seed)
    k1, k2 = jax.random.split(key)
    pred = jax.random.normal(k1, (16384, 4), dtype=jnp.float32)
    target = jax.random.normal(k2, (16384, 4), dtype=jnp.float32)
    return {"pred": pred, "target": target}

def reference(pred, target):
    # pred, target: [N, 4] = (x, y, z, intensity)
    pred_intensity = pred[:, 3]
    target_intensity = target[:, 3]
    # coords are detached in the original (faiss operates on detached numpy)
    pred_coords = jax.lax.stop_gradient(pred[:, :3])
    target_coords = jax.lax.stop_gradient(target[:, :3])
    # brute-force exact 1-NN in L2, equivalent to faiss.IndexFlatL2 search(k=1)
    pn = jnp.sum(pred_coords * pred_coords, axis=1, keepdims=True)          # [N,1]
    tn = jnp.sum(target_coords * target_coords, axis=1, keepdims=True).T     # [1,M]
    d2 = pn + tn - 2.0 * (pred_coords @ target_coords.T)                     # [N,M]
    indices = jnp.argmin(d2, axis=1)                                          # [N]
    matched_target_intensity = jnp.take(target_intensity, indices, axis=0)   # gather
    diff = pred_intensity - matched_target_intensity
    intensity_loss = jnp.mean(diff * diff)
    return intensity_loss * LOSS_WEIGHT

if __name__ == "__main__":
    import jax
    _d = setup_inputs()
    print(jax.jit(kernel)(*tuple(_d.values())))

</pallas_src>

<mosaic_0001>
#map = affine_map<(d0, d1) -> (0, 0, 0)>
#map1 = affine_map<(d0, d1) -> (0, 0)>
module attributes {stable_mosaic.version = 14 : i64} {
  func.func @_sc_gather_kernel(%arg0: i32, %arg1: i32, %arg2: memref<32x4x128xi32, #tpu.memory_space<hbm>>, %arg3: memref<16384x8xf32, #tpu.memory_space<hbm>>, %arg4: memref<16384x8xf32, #tpu.memory_space<hbm>>, %arg5: memref<4x128xi32, #tpu.memory_space<vmem>>, %arg6: memref<512x8xf32, #tpu.memory_space<vmem>>, %arg7: memref<!tpu.dma_semaphore, #tpu.memory_space<semaphore_mem>>) attributes {dimension_semantics = [#tpu.dimension_semantics<core_parallel>, #tpu.dimension_semantics<subcore_parallel>], iteration_bounds = array<i64: 2, 16>, scalar_prefetch = 0 : i64, scratch_operands = 3 : i64, tpu.core_type = #tpu.core_type<sc_vector_subcore>, window_params = [{transform_indices = #map}, {transform_indices = #map1}, {transform_indices = #map1}]} {
    %mul3A = arith.constant 2 : i32
    %mul3A_0 = arith.muli %arg1, %mul3A : i32
    %add3A = arith.addi %mul3A_0, %arg0 : i32
    "tpu.region"() ({
      %run_scoped3A = tpu.sem_alloc : memref<!tpu.dma_semaphore, #tpu.memory_space<semaphore_mem>>
      %dma_start3A_81 = arith.constant 0 : i32
      %dma_start3A_82 = arith.constant 0 : i32
      %dma_start3A_83 = tpu.memref_slice %arg2[%add3A, %dma_start3A_81, %dma_start3A_82] : memref<32x4x128xi32, #tpu.memory_space<hbm>> -> memref<1x4x128xi32, #tpu.memory_space<hbm>>
      %dma_start3A_84 = tpu.memref_squeeze %dma_start3A_83 : memref<1x4x128xi32, #tpu.memory_space<hbm>> -> memref<4x128xi32, #tpu.memory_space<hbm>>
      %dma_start3A_85 = arith.constant 0 : i32
      %dma_start3A_86 = arith.constant 0 : i32
      %dma_start3A_87 = tpu.memref_slice %arg2[%add3A, %dma_start3A_85, %dma_start3A_86] : memref<32x4x128xi32, #tpu.memory_space<hbm>> -> memref<1x4x128xi32, #tpu.memory_space<hbm>>
      %dma_start3A_88 = tpu.memref_squeeze %dma_start3A_87 : memref<1x4x128xi32, #tpu.memory_space<hbm>> -> memref<4x128xi32, #tpu.memory_space<hbm>>
      tpu.enqueue_dma source(%dma_start3A_88 : memref<4x128xi32, #tpu.memory_space<hbm>>) target(%arg5 : memref<4x128xi32, #tpu.memory_space<vmem>>) target_semaphore(%run_scoped3A : memref<!tpu.dma_semaphore, #tpu.memory_space<semaphore_mem>>)
      %dma_wait3A_89 = arith.constant 0 : i32
      %dma_wait3A_90 = arith.constant 0 : i32
      %dma_wait3A_91 = tpu.memref_slice %arg2[%add3A, %dma_wait3A_89, %dma_wait3A_90] : memref<32x4x128xi32, #tpu.memory_space<hbm>> -> memref<1x4x128xi32, #tpu.memory_space<hbm>>
      %dma_wait3A_92 = tpu.memref_squeeze %dma_wait3A_91 : memref<1x4x128xi32, #tpu.memory_space<hbm>> -> memref<4x128xi32, #tpu.memory_space<hbm>>
      %dma_wait3A_93 = arith.constant 0 : i32
      %dma_wait3A_94 = arith.constant 0 : i32
      %dma_wait3A_95 = tpu.memref_slice %arg2[%add3A, %dma_wait3A_93, %dma_wait3A_94] : memref<32x4x128xi32, #tpu.memory_space<hbm>> -> memref<1x4x128xi32, #tpu.memory_space<hbm>>
      %dma_wait3A_96 = tpu.memref_squeeze %dma_wait3A_95 : memref<1x4x128xi32, #tpu.memory_space<hbm>> -> memref<4x128xi32, #tpu.memory_space<hbm>>
      tpu.wait_dma2 semaphore(%run_scoped3A : memref<!tpu.dma_semaphore, #tpu.memory_space<semaphore_mem>>) src(%dma_wait3A_96 : memref<4x128xi32, #tpu.memory_space<hbm>>) dst(%arg5 : memref<4x128xi32, #tpu.memory_space<vmem>>)
      tpu.yield
    }) : () -> ()
    %dma_start3A = arith.constant 0 : i32
    %dma_start3A_1 = arith.constant 0 : i32
    %dma_start3A_2 = arith.constant 0 : i32
    %dma_start3A_3 = tpu.memref_slice %arg6[%dma_start3A_1, %dma_start3A_2] : memref<512x8xf32, #tpu.memory_space<vmem>> -> memref<128x8xf32, #tpu.memory_space<vmem>>
    %dma_start3A_4 = arith.constant 0 : i32
    %dma_start3A_5 = tpu.memref_slice %arg5[%dma_start3A, %dma_start3A_4] : memref<4x128xi32, #tpu.memory_space<vmem>> -> memref<1x128xi32, #tpu.memory_space<vmem>>
    %dma_start3A_6 = tpu.memref_squeeze %dma_start3A_5 : memref<1x128xi32, #tpu.memory_space<vmem>> -> memref<128xi32, #tpu.memory_space<vmem>>
    %dma_start3A_7 = arith.constant 0 : i32
    %dma_start3A_8 = arith.constant 0 : i32
    %dma_start3A_9 = tpu.memref_slice %arg3[%dma_start3A_7, %dma_start3A_8] : memref<16384x8xf32, #tpu.memory_space<hbm>> -> memref<16384x8xf32, #tpu.memory_space<hbm>>
    tpu.enqueue_indirect_dma source(%dma_start3A_9 : memref<16384x8xf32, #tpu.memory_space<hbm>>) target(%dma_start3A_3 : memref<128x8xf32, #tpu.memory_space<vmem>>) offsets(%dma_start3A_6 : memref<128xi32, #tpu.memory_space<vmem>>) semaphore(%arg7 : memref<!tpu.dma_semaphore, #tpu.memory_space<semaphore_mem>>)
    %dma_wait3A = arith.constant 0 : i32
    %dma_wait3A_10 = arith.constant 0 : i32
    %dma_wait3A_11 = arith.constant 0 : i32
    %dma_wait3A_12 = tpu.memref_slice %arg6[%dma_wait3A_10, %dma_wait3A_11] : memref<512x8xf32, #tpu.memory_space<vmem>> -> memref<128x8xf32, #tpu.memory_space<vmem>>
    %dma_wait3A_13 = arith.constant 0 : i32
    %dma_wait3A_14 = tpu.memref_slice %arg5[%dma_wait3A, %dma_wait3A_13] : memref<4x128xi32, #tpu.memory_space<vmem>> -> memref<1x128xi32, #tpu.memory_space<vmem>>
    %dma_wait3A_15 = tpu.memref_squeeze %dma_wait3A_14 : memref<1x128xi32, #tpu.memory_space<vmem>> -> memref<128xi32, #tpu.memory_space<vmem>>
    %dma_wait3A_16 = arith.constant 0 : i32
    %dma_wait3A_17 = arith.constant 0 : i32
    %dma_wait3A_18 = tpu.memref_slice %arg3[%dma_wait3A_16, %dma_wait3A_17] : memref<16384x8xf32, #tpu.memory_space<hbm>> -> memref<16384x8xf32, #tpu.memory_space<hbm>>
    tpu.wait_indirect_dma semaphore(%arg7 : memref<!tpu.dma_semaphore, #tpu.memory_space<semaphore_mem>>) src(%dma_wait3A_18 : memref<16384x8xf32, #tpu.memory_space<hbm>>) dst(%dma_wait3A_12 : memref<128x8xf32, #tpu.memory_space<vmem>>)
    %dma_start3A_19 = arith.constant 1 : i32
    %dma_start3A_20 = arith.constant 128 : i32
    %dma_start3A_21 = arith.constant 0 : i32
    %dma_start3A_22 = tpu.memref_slice %arg6[%dma_start3A_20, %dma_start3A_21] : memref<512x8xf32, #tpu.memory_space<vmem>> -> memref<128x8xf32, #tpu.memory_space<vmem>>
    %dma_start3A_23 = arith.constant 0 : i32
    %dma_start3A_24 = tpu.memref_slice %arg5[%dma_start3A_19, %dma_start3A_23] : memref<4x128xi32, #tpu.memory_space<vmem>> -> memref<1x128xi32, #tpu.memory_space<vmem>>
    %dma_start3A_25 = tpu.memref_squeeze %dma_start3A_24 : memref<1x128xi32, #tpu.memory_space<vmem>> -> memref<128xi32, #tpu.memory_space<vmem>>
    %dma_start3A_26 = arith.constant 0 : i32
    %dma_start3A_27 = arith.constant 0 : i32
    %dma_start3A_28 = tpu.memref_slice %arg3[%dma_start3A_26, %dma_start3A_27] : memref<16384x8xf32, #tpu.memory_space<hbm>> -> memref<16384x8xf32, #tpu.memory_space<hbm>>
    tpu.enqueue_indirect_dma source(%dma_start3A_28 : memref<16384x8xf32, #tpu.memory_space<hbm>>) target(%dma_start3A_22 : memref<128x8xf32, #tpu.memory_space<vmem>>) offsets(%dma_start3A_25 : memref<128xi32, #tpu.memory_space<vmem>>) semaphore(%arg7 : memref<!tpu.dma_semaphore, #tpu.memory_space<semaphore_mem>>)
    %dma_wait3A_29 = arith.constant 1 : i32
    %dma_wait3A_30 = arith.constant 128 : i32
    %dma_wait3A_31 = arith.constant 0 : i32
    %dma_wait3A_32 = tpu.memref_slice %arg6[%dma_wait3A_30, %dma_wait3A_31] : memref<512x8xf32, #tpu.memory_space<vmem>> -> memref<128x8xf32, #tpu.memory_space<vmem>>
    %dma_wait3A_33 = arith.constant 0 : i32
    %dma_wait3A_34 = tpu.memref_slice %arg5[%dma_wait3A_29, %dma_wait3A_33] : memref<4x128xi32, #tpu.memory_space<vmem>> -> memref<1x128xi32, #tpu.memory_space<vmem>>
    %dma_wait3A_35 = tpu.memref_squeeze %dma_wait3A_34 : memref<1x128xi32, #tpu.memory_space<vmem>> -> memref<128xi32, #tpu.memory_space<vmem>>
    %dma_wait3A_36 = arith.constant 0 : i32
    %dma_wait3A_37 = arith.constant 0 : i32
    %dma_wait3A_38 = tpu.memref_slice %arg3[%dma_wait3A_36, %dma_wait3A_37] : memref<16384x8xf32, #tpu.memory_space<hbm>> -> memref<16384x8xf32, #tpu.memory_space<hbm>>
    tpu.wait_indirect_dma semaphore(%arg7 : memref<!tpu.dma_semaphore, #tpu.memory_space<semaphore_mem>>) src(%dma_wait3A_38 : memref<16384x8xf32, #tpu.memory_space<hbm>>) dst(%dma_wait3A_32 : memref<128x8xf32, #tpu.memory_space<vmem>>)
    %dma_start3A_39 = arith.constant 2 : i32
    %dma_start3A_40 = arith.constant 256 : i32
    %dma_start3A_41 = arith.constant 0 : i32
    %dma_start3A_42 = tpu.memref_slice %arg6[%dma_start3A_40, %dma_start3A_41] : memref<512x8xf32, #tpu.memory_space<vmem>> -> memref<128x8xf32, #tpu.memory_space<vmem>>
    %dma_start3A_43 = arith.constant 0 : i32
    %dma_start3A_44 = tpu.memref_slice %arg5[%dma_start3A_39, %dma_start3A_43] : memref<4x128xi32, #tpu.memory_space<vmem>> -> memref<1x128xi32, #tpu.memory_space<vmem>>
    %dma_start3A_45 = tpu.memref_squeeze %dma_start3A_44 : memref<1x128xi32, #tpu.memory_space<vmem>> -> memref<128xi32, #tpu.memory_space<vmem>>
    %dma_start3A_46 = arith.constant 0 : i32
    %dma_start3A_47 = arith.constant 0 : i32
    %dma_start3A_48 = tpu.memref_slice %arg3[%dma_start3A_46, %dma_start3A_47] : memref<16384x8xf32, #tpu.memory_space<hbm>> -> memref<16384x8xf32, #tpu.memory_space<hbm>>
    tpu.enqueue_indirect_dma source(%dma_start3A_48 : memref<16384x8xf32, #tpu.memory_space<hbm>>) target(%dma_start3A_42 : memref<128x8xf32, #tpu.memory_space<vmem>>) offsets(%dma_start3A_45 : memref<128xi32, #tpu.memory_space<vmem>>) semaphore(%arg7 : memref<!tpu.dma_semaphore, #tpu.memory_space<semaphore_mem>>)
    %dma_wait3A_49 = arith.constant 2 : i32
    %dma_wait3A_50 = arith.constant 256 : i32
    %dma_wait3A_51 = arith.constant 0 : i32
    %dma_wait3A_52 = tpu.memref_slice %arg6[%dma_wait3A_50, %dma_wait3A_51] : memref<512x8xf32, #tpu.memory_space<vmem>> -> memref<128x8xf32, #tpu.memory_space<vmem>>
    %dma_wait3A_53 = arith.constant 0 : i32
    %dma_wait3A_54 = tpu.memref_slice %arg5[%dma_wait3A_49, %dma_wait3A_53] : memref<4x128xi32, #tpu.memory_space<vmem>> -> memref<1x128xi32, #tpu.memory_space<vmem>>
    %dma_wait3A_55 = tpu.memref_squeeze %dma_wait3A_54 : memref<1x128xi32, #tpu.memory_space<vmem>> -> memref<128xi32, #tpu.memory_space<vmem>>
    %dma_wait3A_56 = arith.constant 0 : i32
    %dma_wait3A_57 = arith.constant 0 : i32
    %dma_wait3A_58 = tpu.memref_slice %arg3[%dma_wait3A_56, %dma_wait3A_57] : memref<16384x8xf32, #tpu.memory_space<hbm>> -> memref<16384x8xf32, #tpu.memory_space<hbm>>
    tpu.wait_indirect_dma semaphore(%arg7 : memref<!tpu.dma_semaphore, #tpu.memory_space<semaphore_mem>>) src(%dma_wait3A_58 : memref<16384x8xf32, #tpu.memory_space<hbm>>) dst(%dma_wait3A_52 : memref<128x8xf32, #tpu.memory_space<vmem>>)
    %dma_start3A_59 = arith.constant 3 : i32
    %dma_start3A_60 = arith.constant 384 : i32
    %dma_start3A_61 = arith.constant 0 : i32
    %dma_start3A_62 = tpu.memref_slice %arg6[%dma_start3A_60, %dma_start3A_61] : memref<512x8xf32, #tpu.memory_space<vmem>> -> memref<128x8xf32, #tpu.memory_space<vmem>>
    %dma_start3A_63 = arith.constant 0 : i32
    %dma_start3A_64 = tpu.memref_slice %arg5[%dma_start3A_59, %dma_start3A_63] : memref<4x128xi32, #tpu.memory_space<vmem>> -> memref<1x128xi32, #tpu.memory_space<vmem>>
    %dma_start3A_65 = tpu.memref_squeeze %dma_start3A_64 : memref<1x128xi32, #tpu.memory_space<vmem>> -> memref<128xi32, #tpu.memory_space<vmem>>
    %dma_start3A_66 = arith.constant 0 : i32
    %dma_start3A_67 = arith.constant 0 : i32
    %dma_start3A_68 = tpu.memref_slice %arg3[%dma_start3A_66, %dma_start3A_67] : memref<16384x8xf32, #tpu.memory_space<hbm>> -> memref<16384x8xf32, #tpu.memory_space<hbm>>
    tpu.enqueue_indirect_dma source(%dma_start3A_68 : memref<16384x8xf32, #tpu.memory_space<hbm>>) target(%dma_start3A_62 : memref<128x8xf32, #tpu.memory_space<vmem>>) offsets(%dma_start3A_65 : memref<128xi32, #tpu.memory_space<vmem>>) semaphore(%arg7 : memref<!tpu.dma_semaphore, #tpu.memory_space<semaphore_mem>>)
    %dma_wait3A_69 = arith.constant 3 : i32
    %dma_wait3A_70 = arith.constant 384 : i32
    %dma_wait3A_71 = arith.constant 0 : i32
    %dma_wait3A_72 = tpu.memref_slice %arg6[%dma_wait3A_70, %dma_wait3A_71] : memref<512x8xf32, #tpu.memory_space<vmem>> -> memref<128x8xf32, #tpu.memory_space<vmem>>
    %dma_wait3A_73 = arith.constant 0 : i32
    %dma_wait3A_74 = tpu.memref_slice %arg5[%dma_wait3A_69, %dma_wait3A_73] : memref<4x128xi32, #tpu.memory_space<vmem>> -> memref<1x128xi32, #tpu.memory_space<vmem>>
    %dma_wait3A_75 = tpu.memref_squeeze %dma_wait3A_74 : memref<1x128xi32, #tpu.memory_space<vmem>> -> memref<128xi32, #tpu.memory_space<vmem>>
    %dma_wait3A_76 = arith.constant 0 : i32
    %dma_wait3A_77 = arith.constant 0 : i32
    %dma_wait3A_78 = tpu.memref_slice %arg3[%dma_wait3A_76, %dma_wait3A_77] : memref<16384x8xf32, #tpu.memory_space<hbm>> -> memref<16384x8xf32, #tpu.memory_space<hbm>>
    tpu.wait_indirect_dma semaphore(%arg7 : memref<!tpu.dma_semaphore, #tpu.memory_space<semaphore_mem>>) src(%dma_wait3A_78 : memref<16384x8xf32, #tpu.memory_space<hbm>>) dst(%dma_wait3A_72 : memref<128x8xf32, #tpu.memory_space<vmem>>)
    %mul3A_79 = arith.constant 512 : i32
    %mul3A_80 = arith.muli %add3A, %mul3A_79 : i32
    "tpu.region"() ({
      %run_scoped3A = tpu.sem_alloc : memref<!tpu.dma_semaphore, #tpu.memory_space<semaphore_mem>>
      %dma_start3A_81 = arith.constant 0 : i32
      %dma_start3A_82 = tpu.memref_slice %arg4[%mul3A_80, %dma_start3A_81] : memref<16384x8xf32, #tpu.memory_space<hbm>> -> memref<512x8xf32, #tpu.memory_space<hbm>>
      %dma_start3A_83 = arith.constant 0 : i32
      %dma_start3A_84 = tpu.memref_slice %arg4[%mul3A_80, %dma_start3A_83] : memref<16384x8xf32, #tpu.memory_space<hbm>> -> memref<512x8xf32, #tpu.memory_space<hbm>>
      tpu.enqueue_dma source(%arg6 : memref<512x8xf32, #tpu.memory_space<vmem>>) target(%dma_start3A_84 : memref<512x8xf32, #tpu.memory_space<hbm>>) target_semaphore(%run_scoped3A : memref<!tpu.dma_semaphore, #tpu.memory_space<semaphore_mem>>)
      %dma_wait3A_85 = arith.constant 0 : i32
      %dma_wait3A_86 = tpu.memref_slice %arg4[%mul3A_80, %dma_wait3A_85] : memref<16384x8xf32, #tpu.memory_space<hbm>> -> memref<512x8xf32, #tpu.memory_space<hbm>>
      %dma_wait3A_87 = arith.constant 0 : i32
      %dma_wait3A_88 = tpu.memref_slice %arg4[%mul3A_80, %dma_wait3A_87] : memref<16384x8xf32, #tpu.memory_space<hbm>> -> memref<512x8xf32, #tpu.memory_space<hbm>>
      tpu.wait_dma2 semaphore(%run_scoped3A : memref<!tpu.dma_semaphore, #tpu.memory_space<semaphore_mem>>) src(%arg6 : memref<512x8xf32, #tpu.memory_space<vmem>>) dst(%dma_wait3A_88 : memref<512x8xf32, #tpu.memory_space<hbm>>)
      tpu.yield
    }) : () -> ()
    return
  }
}

module attributes {stable_mosaic.version = 14 : i64} {
  func.func @_argmin_kernel(%arg0: i32, %arg1: i32, %arg2: memref<1024x4xf32, #tpu.memory_space<vmem>>, %arg3: memref<4x4096xf32, #tpu.memory_space<vmem>>, %arg4: memref<1x1x1024xi32, #tpu.memory_space<vmem>>, %arg5: memref<1024x1xf32, #tpu.memory_space<vmem>>, %arg6: memref<1024x1xf32, #tpu.memory_space<vmem>>) attributes {dimension_semantics = [#tpu.dimension_semantics<arbitrary>, #tpu.dimension_semantics<arbitrary>], iteration_bounds = array<i64: 16, 4>, scalar_prefetch = 0 : i64, scratch_operands = 2 : i64, tpu.core_type = #tpu.core_type<tc>, window_params = [{transform_indices = @transform_0, window_bounds = array<i64: 1024, 4>}, {transform_indices = @transform_1, window_bounds = array<i64: 4, 4096>}, {transform_indices = @transform_2, window_bounds = array<i64: 1, 1, 1024>}]} {
    %eq3A = arith.constant 0 : i32
    %eq3A_0 = arith.cmpi eq, %arg1, %eq3A : i32
    %convert_element_type3A = arith.extui %eq3A_0 : i1 to i32
    %cond3A = arith.constant 0 : i32
    %cond3A_1 = arith.cmpi ne, %convert_element_type3A, %cond3A : i32
    scf.if %cond3A_1 {
      %broadcast_in_dim3A_89 = arith.constant 0x7F800000 : f32
      %broadcast_in_dim3A_90 = vector.broadcast %broadcast_in_dim3A_89 : f32 to vector<1024x1xf32>
      %swap3A_91 = arith.constant 0 : index
      %swap3A_92 = arith.constant 0 : index
      %swap3A_93 = vector.load %arg5[%swap3A_91, %swap3A_92] : memref<1024x1xf32, #tpu.memory_space<vmem>>, vector<1024x1xf32>
      tpu.vector_store %arg5[%swap3A_91, %swap3A_92], %broadcast_in_dim3A_90 {strides = array<i32>} : memref<1024x1xf32, #tpu.memory_space<vmem>>, vector<1024x1xf32>,
      %broadcast_in_dim3A_94 = arith.constant 0.000000e+00 : f32
      %broadcast_in_dim3A_95 = vector.broadcast %broadcast_in_dim3A_94 : f32 to vector<1024x1xf32>
      %swap3A_96 = arith.constant 0 : index
      %swap3A_97 = arith.constant 0 : index
      %swap3A_98 = vector.load %arg6[%swap3A_96, %swap3A_97] : memref<1024x1xf32, #tpu.memory_space<vmem>>, vector<1024x1xf32>
      tpu.vector_store %arg6[%swap3A_96, %swap3A_97], %broadcast_in_dim3A_95 {strides = array<i32>} : memref<1024x1xf32, #tpu.memory_space<vmem>>, vector<1024x1xf32>,
    } else {
    }
    %get3A = arith.constant 0 : index
    %get3A_2 = arith.constant 0 : index
    %get3A_3 = vector.load %arg2[%get3A, %get3A_2] : memref<1024x4xf32, #tpu.memory_space<vmem>>, vector<1024x4xf32>
    %get3A_4 = arith.constant 0 : index
    %get3A_5 = arith.constant 0 : index
    %get3A_6 = vector.load %arg3[%get3A_4, %get3A_5] : memref<4x4096xf32, #tpu.memory_space<vmem>>, vector<4x4096xf32>
    %slice3A = vector.extract_strided_slice %get3A_3 {offsets = [0, 0], sizes = [1024, 3], strides = [1, 1]} : vector<1024x4xf32> to vector<1024x3xf32>
    %mul3A = arith.constant -2.000000e+00 : f32
    %mul3A_7 = vector.broadcast %mul3A : f32 to vector<1024x3xf32>
    %mul3A_8 = arith.mulf %slice3A, %mul3A_7 : vector<1024x3xf32>
    %slice3A_9 = vector.extract_strided_slice %get3A_6 {offsets = [0, 0], sizes = [3, 4096], strides = [1, 1]} : vector<4x4096xf32> to vector<3x4096xf32>
    %mul3A_10 = arith.mulf %slice3A_9, %slice3A_9 : vector<3x4096xf32>
    %slice3A_11 = vector.extract_strided_slice %mul3A_10 {offsets = [0, 0], sizes = [1, 4096], strides = [1, 1]} : vector<3x4096xf32> to vector<1x4096xf32>
    %slice3A_12 = vector.extract_strided_slice %mul3A_10 {offsets = [1, 0], sizes = [1, 4096], strides = [1, 1]} : vector<3x4096xf32> to vector<1x4096xf32>
    %add3A = arith.addf %slice3A_11, %slice3A_12 : vector<1x4096xf32>
    %slice3A_13 = vector.extract_strided_slice %mul3A_10 {offsets = [2, 0], sizes = [1, 4096], strides = [1, 1]} : vector<3x4096xf32> to vector<1x4096xf32>
    %add3A_14 = arith.addf %add3A, %slice3A_13 : vector<1x4096xf32>
    %dot_general3A = arith.constant dense<0.000000e+00> : vector<1024x4096xf32>
    %dot_general3A_15 = tpu.matmul %mul3A_8, %slice3A_9, %dot_general3A {dimension_numbers = #tpu.dot_dimension_numbers<[1], [0], [0], [1], [0, 0, 1, 1], [], []>, transpose_lhs_hint = false} : vector<1024x3xf32>, vector<3x4096xf32>, vector<1024x4096xf32> -> vector<1024x4096xf32>
    %add3A_16 = vector.broadcast %add3A_14 : vector<1x4096xf32> to vector<1024x4096xf32>
    %add3A_17 = arith.addf %add3A_16, %dot_general3A_15 : vector<1024x4096xf32>
    %iota3A = tpu.iota {dimensions = array<i32: 1>} : vector<1x4096xi32>
    %mul3A_18 = arith.constant 4096 : i32
    %mul3A_19 = arith.muli %arg1, %mul3A_18 : i32
    %add3A_20 = vector.broadcast %mul3A_19 : i32 to vector<1x4096xi32>
    %add3A_21 = arith.addi %iota3A, %add3A_20 : vector<1x4096xi32>
    %convert_element_type3A_22 = arith.sitofp %add3A_21 : vector<1x4096xi32> to vector<1x4096xf32>
    %slice3A_23 = vector.extract_strided_slice %add3A_17 {offsets = [0, 0], sizes = [1024, 2048], strides = [1, 1]} : vector<1024x4096xf32> to vector<1024x2048xf32>
    %slice3A_24 = vector.extract_strided_slice %add3A_17 {offsets = [0, 2048], sizes = [1024, 2048], strides = [1, 1]} : vector<1024x4096xf32> to vector<1024x2048xf32>
    %lt3A = arith.cmpf olt, %slice3A_24, %slice3A_23 : vector<1024x2048xf32>
    %slice3A_25 = vector.extract_strided_slice %convert_element_type3A_22 {offsets = [0, 2048], sizes = [1, 2048], strides = [1, 1]} : vector<1x4096xf32> to vector<1x2048xf32>
    %slice3A_26 = vector.extract_strided_slice %convert_element_type3A_22 {offsets = [0, 0], sizes = [1, 2048], strides = [1, 1]} : vector<1x4096xf32> to vector<1x2048xf32>
    %broadcast_in_dim3A = vector.shape_cast %slice3A_25 : vector<1x2048xf32> to vector<1x2048xf32>
    %broadcast_in_dim3A_27 = vector.broadcast %broadcast_in_dim3A : vector<1x2048xf32> to vector<1024x2048xf32>
    %broadcast_in_dim3A_28 = vector.shape_cast %slice3A_26 : vector<1x2048xf32> to vector<1x2048xf32>
    %broadcast_in_dim3A_29 = vector.broadcast %broadcast_in_dim3A_28 : vector<1x2048xf32> to vector<1024x2048xf32>
    %select_n3A = arith.select %lt3A, %broadcast_in_dim3A_27, %broadcast_in_dim3A_29 : vector<1024x2048xi1>, vector<1024x2048xf32>
    %min3A = arith.minimumf %slice3A_23, %slice3A_24 : vector<1024x2048xf32>
    %slice3A_30 = vector.extract_strided_slice %min3A {offsets = [0, 0], sizes = [1024, 1024], strides = [1, 1]} : vector<1024x2048xf32> to vector<1024x1024xf32>
    %slice3A_31 = vector.extract_strided_slice %min3A {offsets = [0, 1024], sizes = [1024, 1024], strides = [1, 1]} : vector<1024x2048xf32> to vector<1024x1024xf32>
    %lt3A_32 = arith.cmpf olt, %slice3A_31, %slice3A_30 : vector<1024x1024xf32>
    %slice3A_33 = vector.extract_strided_slice %select_n3A {offsets = [0, 1024], sizes = [1024, 1024], strides = [1, 1]} : vector<1024x2048xf32> to vector<1024x1024xf32>
    %slice3A_34 = vector.extract_strided_slice %select_n3A {offsets = [0, 0], sizes = [1024, 1024], strides = [1, 1]} : vector<1024x2048xf32> to vector<1024x1024xf32>
    %select_n3A_35 = arith.select %lt3A_32, %slice3A_33, %slice3A_34 : vector<1024x1024xi1>, vector<1024x1024xf32>
    %min3A_36 = arith.minimumf %slice3A_30, %slice3A_31 : vector<1024x1024xf32>
    %slice3A_37 = vector.extract_strided_slice %min3A_36 {offsets = [0, 0], sizes = [1024, 512], strides = [1, 1]} : vector<1024x1024xf32> to vector<1024x512xf32>
    %slice3A_38 = vector.extract_strided_slice %min3A_36 {offsets = [0, 512], sizes = [1024, 512], strides = [1, 1]} : vector<1024x1024xf32> to vector<1024x512xf32>
    %lt3A_39 = arith.cmpf olt, %slice3A_38, %slice3A_37 : vector<1024x512xf32>
    %slice3A_40 = vector.extract_strided_slice %select_n3A_35 {offsets = [0, 512], sizes = [1024, 512], strides = [1, 1]} : vector<1024x1024xf32> to vector<1024x512xf32>
    %slice3A_41 = vector.extract_strided_slice %select_n3A_35 {offsets = [0, 0], sizes = [1024, 512], strides = [1, 1]} : vector<1024x1024xf32> to vector<1024x512xf32>
    %select_n3A_42 = arith.select %lt3A_39, %slice3A_40, %slice3A_41 : vector<1024x512xi1>, vector<1024x512xf32>
    %min3A_43 = arith.minimumf %slice3A_37, %slice3A_38 : vector<1024x512xf32>
    %slice3A_44 = vector.extract_strided_slice %min3A_43 {offsets = [0, 0], sizes = [1024, 256], strides = [1, 1]} : vector<1024x512xf32> to vector<1024x256xf32>
    %slice3A_45 = vector.extract_strided_slice %min3A_43 {offsets = [0, 256], sizes = [1024, 256], strides = [1, 1]} : vector<1024x512xf32> to vector<1024x256xf32>
    %lt3A_46 = arith.cmpf olt, %slice3A_45, %slice3A_44 : vector<1024x256xf32>
    %slice3A_47 = vector.extract_strided_slice %select_n3A_42 {offsets = [0, 256], sizes = [1024, 256], strides = [1, 1]} : vector<1024x512xf32> to vector<1024x256xf32>
    %slice3A_48 = vector.extract_strided_slice %select_n3A_42 {offsets = [0, 0], sizes = [1024, 256], strides = [1, 1]} : vector<1024x512xf32> to vector<1024x256xf32>
    %select_n3A_49 = arith.select %lt3A_46, %slice3A_47, %slice3A_48 : vector<1024x256xi1>, vector<1024x256xf32>
    %min3A_50 = arith.minimumf %slice3A_44, %slice3A_45 : vector<1024x256xf32>
    %slice3A_51 = vector.extract_strided_slice %min3A_50 {offsets = [0, 0], sizes = [1024, 128], strides = [1, 1]} : vector<1024x256xf32> to vector<1024x128xf32>
    %slice3A_52 = vector.extract_strided_slice %min3A_50 {offsets = [0, 128], sizes = [1024, 128], strides = [1, 1]} : vector<1024x256xf32> to vector<1024x128xf32>
    %lt3A_53 = arith.cmpf olt, %slice3A_52, %slice3A_51 : vector<1024x128xf32>
    %slice3A_54 = vector.extract_strided_slice %select_n3A_49 {offsets = [0, 128], sizes = [1024, 128], strides = [1, 1]} : vector<1024x256xf32> to vector<1024x128xf32>
    %slice3A_55 = vector.extract_strided_slice %select_n3A_49 {offsets = [0, 0], sizes = [1024, 128], strides = [1, 1]} : vector<1024x256xf32> to vector<1024x128xf32>
    %select_n3A_56 = arith.select %lt3A_53, %slice3A_54, %slice3A_55 : vector<1024x128xi1>, vector<1024x128xf32>
    %min3A_57 = arith.minimumf %slice3A_51, %slice3A_52 : vector<1024x128xf32>
    %reduce_min3A = arith.constant dense<0x7F800000> : vector<1024xf32>
    %reduce_min3A_58 = vector.multi_reduction <minimumf>, %min3A_57, %reduce_min3A [1] : vector<1024x128xf32> to vector<1024xf32>
    %broadcast_in_dim3A_59 = vector.shape_cast %reduce_min3A_58 : vector<1024xf32> to vector<1024x1xf32>
    %eq3A_60 = vector.broadcast %broadcast_in_dim3A_59 : vector<1024x1xf32> to vector<1024x128xf32>
    %eq3A_61 = arith.cmpf oeq, %min3A_57, %eq3A_60 : vector<1024x128xf32>
    %jit3A = arith.constant 3.000000e+38 : f32
    %broadcast_in_dim3A_62 = vector.broadcast %jit3A : f32 to vector<1024x128xf32>
    %select_n3A_63 = arith.select %eq3A_61, %select_n3A_56, %broadcast_in_dim3A_62 : vector<1024x128xi1>, vector<1024x128xf32>
    %reduce_min3A_64 = arith.constant dense<0x7F800000> : vector<1024xf32>
    %reduce_min3A_65 = vector.multi_reduction <minimumf>, %select_n3A_63, %reduce_min3A_64 [1] : vector<1024x128xf32> to vector<1024xf32>
    %broadcast_in_dim3A_66 = vector.shape_cast %reduce_min3A_65 : vector<1024xf32> to vector<1024x1xf32>
    %get3A_67 = arith.constant 0 : index
    %get3A_68 = arith.constant 0 : index
    %get3A_69 = vector.load %arg5[%get3A_67, %get3A_68] : memref<1024x1xf32, #tpu.memory_space<vmem>>, vector<1024x1xf32>
    %lt3A_70 = arith.cmpf olt, %broadcast_in_dim3A_59, %get3A_69 : vector<1024x1xf32>
    %get3A_71 = arith.constant 0 : index
    %get3A_72 = arith.constant 0 : index
    %get3A_73 = vector.load %arg5[%get3A_71, %get3A_72] : memref<1024x1xf32, #tpu.memory_space<vmem>>, vector<1024x1xf32>
    %select_n3A_74 = arith.select %lt3A_70, %broadcast_in_dim3A_59, %get3A_73 : vector<1024x1xi1>, vector<1024x1xf32>
    %swap3A = arith.constant 0 : index
    %swap3A_75 = arith.constant 0 : index
    %swap3A_76 = vector.load %arg5[%swap3A, %swap3A_75] : memref<1024x1xf32, #tpu.memory_space<vmem>>, vector<1024x1xf32>
    tpu.vector_store %arg5[%swap3A, %swap3A_75], %select_n3A_74 {strides = array<i32>} : memref<1024x1xf32, #tpu.memory_space<vmem>>, vector<1024x1xf32>,
    %get3A_77 = arith.constant 0 : index
    %get3A_78 = arith.constant 0 : index
    %get3A_79 = vector.load %arg6[%get3A_77, %get3A_78] : memref<1024x1xf32, #tpu.memory_space<vmem>>, vector<1024x1xf32>
    %select_n3A_80 = arith.select %lt3A_70, %broadcast_in_dim3A_66, %get3A_79 : vector<1024x1xi1>, vector<1024x1xf32>
    %swap3A_81 = arith.constant 0 : index
    %swap3A_82 = arith.constant 0 : index
    %swap3A_83 = vector.load %arg6[%swap3A_81, %swap3A_82] : memref<1024x1xf32, #tpu.memory_space<vmem>>, vector<1024x1xf32>
    tpu.vector_store %arg6[%swap3A_81, %swap3A_82], %select_n3A_80 {strides = array<i32>} : memref<1024x1xf32, #tpu.memory_space<vmem>>, vector<1024x1xf32>,
    %eq3A_84 = arith.constant 3 : i32
    %eq3A_85 = arith.cmpi eq, %arg1, %eq3A_84 : i32
    %convert_element_type3A_86 = arith.extui %eq3A_85 : i1 to i32
    %cond3A_87 = arith.constant 0 : i32
    %cond3A_88 = arith.cmpi ne, %convert_element_type3A_86, %cond3A_87 : i32
    scf.if %cond3A_88 {
      %get3A_89 = arith.constant 0 : index
      %get3A_90 = arith.constant 0 : index
      %get3A_91 = vector.load %arg6[%get3A_89, %get3A_90] : memref<1024x1xf32, #tpu.memory_space<vmem>>, vector<1024x1xf32>
      %convert_element_type3A_92 = arith.fptosi %get3A_91 : vector<1024x1xf32> to vector<1024x1xi32>
      %reshape3A = vector.shape_cast %convert_element_type3A_92 : vector<1024x1xi32> to vector<1x1x1024xi32>
      %swap3A_93 = arith.constant 0 : index
      %swap3A_94 = arith.constant 0 : index
      %swap3A_95 = arith.constant 0 : index
      %swap3A_96 = vector.load %arg4[%swap3A_93, %swap3A_94, %swap3A_95] : memref<1x1x1024xi32, #tpu.memory_space<vmem>>, vector<1x1x1024xi32>
      tpu.vector_store %arg4[%swap3A_93, %swap3A_94, %swap3A_95], %reshape3A {strides = array<i32>} : memref<1x1x1024xi32, #tpu.memory_space<vmem>>, vector<1x1x1024xi32>,
    } else {
    }
    return
  }
  func.func @transform_0(%arg0: i32, %arg1: i32) -> (i32, i32) {
    %c0_i32 = arith.constant 0 : i32
    %c0_i32_0 = arith.constant 0 : i32
    return %arg0, %c0_i32 : i32, i32
  }
  func.func @transform_1(%arg0: i32, %arg1: i32) -> (i32, i32) {
    %c0_i32 = arith.constant 0 : i32
    %c0_i32_0 = arith.constant 0 : i32
    return %c0_i32, %arg1 : i32, i32
  }
  func.func @transform_2(%arg0: i32, %arg1: i32) -> (i32, i32, i32) {
    %c0_i32 = arith.constant 0 : i32
    %c0_i32_0 = arith.constant 0 : i32
    %c0_i32_1 = arith.constant 0 : i32
    return %arg0, %c0_i32, %c0_i32_0 : i32, i32, i32
  }
}

module attributes {stable_mosaic.version = 14 : i64} {
  func.func @_reduce_kernel(%arg0: memref<1024x128xf32, #tpu.memory_space<vmem>>, %arg1: memref<1024x128xf32, #tpu.memory_space<vmem>>, %arg2: memref<1x1xf32, #tpu.memory_space<vmem>>) attributes {dimension_semantics = [], scalar_prefetch = 0 : i64, scratch_operands = 0 : i64, tpu.core_type = #tpu.core_type<tc>} {
    %get3A = arith.constant 0 : index
    %get3A_0 = arith.constant 0 : index
    %get3A_1 = vector.load %arg0[%get3A, %get3A_0] : memref<1024x128xf32, #tpu.memory_space<vmem>>, vector<1024x128xf32>
    %get3A_2 = arith.constant 0 : index
    %get3A_3 = arith.constant 0 : index
    %get3A_4 = vector.load %arg1[%get3A_2, %get3A_3] : memref<1024x128xf32, #tpu.memory_space<vmem>>, vector<1024x128xf32>
    %sub3A = arith.subf %get3A_1, %get3A_4 : vector<1024x128xf32>
    %mul3A = arith.mulf %sub3A, %sub3A : vector<1024x128xf32>
    %reduce_sum3A = vector.shape_cast %mul3A : vector<1024x128xf32> to vector<1x1024x128xf32>
    %reduce_sum3A_5 = arith.constant dense<0.000000e+00> : vector<1xf32>
    %reduce_sum3A_6 = vector.multi_reduction <add>, %reduce_sum3A, %reduce_sum3A_5 [1, 2] : vector<1x1024x128xf32> to vector<1xf32>
    %reduce_sum3A_7 = vector.shape_cast %reduce_sum3A_6 : vector<1xf32> to vector<1x1x1xf32>
    %reduce_sum3A_8 = vector.extract %reduce_sum3A_7[0, 0, 0] : f32 from vector<1x1x1xf32>
    %mul3A_9 = arith.constant 7.62939453E-6 : f32
    %mul3A_10 = arith.mulf %reduce_sum3A_8, %mul3A_9 : f32
    %broadcast_in_dim3A = vector.broadcast %mul3A_10 : f32 to vector<1x1xf32>
    %swap3A = arith.constant 0 : index
    %swap3A_11 = arith.constant 0 : index
    %swap3A_12 = vector.load %arg2[%swap3A, %swap3A_11] : memref<1x1xf32, #tpu.memory_space<vmem>>, vector<1x1xf32>
    tpu.vector_store %arg2[%swap3A, %swap3A_11], %broadcast_in_dim3A {strides = array<i32>} : memref<1x1xf32, #tpu.memory_space<vmem>>, vector<1x1xf32>,
    return
  }
}

</mosaic_0001>

<sc_bundles>
// kernel: kernel.5.cloned.1.call-start
scs
__scs_entry_jumppad:
0x0: {  	(pc) =	sbr.rel $0x88, $3  }
0x1: {  	(tag) =	ssettag $0x0;
	lr =	simm.s32 $0x1  }
0x2: {  	[smem:$0x3F9F] =	sst lr;
	_ =	strace $0xD0000000  }
0x3: {  	_ = 	snop  }
0x4: {  	_ = 	snop  }
0x5: {  	_ = 	snop  }
0x6: {  	_ = 	snop  }
0x7: {  	_ = 	snop  }
__scs_overlays_trampoline_lowered:
0x8: {  	[smem:$0x3FAE] =	sst s0  }
0x9: {  	[smem:$0x3FAF] =	sst s1  }
0xa: {  	[smem:$0x3FB0] =	sst s2  }
0xb: {  	[smem:$0x3FB1] =	sst s3  }
0xc: {  	[smem:$0x3FB2] =	sst s4  }
0xd: {  	[smem:$0x3FB3] =	sst s5  }
0xe: {  	[smem:$0x3FB4] =	sst s6  }
0xf: {  	[smem:$0x3FB5] =	sst s7  }
0x10: {  	[smem:$0x3FB6] =	sst s8  }
0x11: {  	[smem:$0x3FB7] =	sst s9;
	s0 =	simm.s32 @!p0 $0x0  }
0x12: {  	s1 =	sld [smem:$0x3F9D];
	s0 =	simm.s32 @p0 $0x1  }
0x13: {  	[smem:$0x3FB8] =	sst s0;
	s0 =	simm.s32 @!p1 $0x0  }
0x14: {  	s2 =	sld [smem:$0x3F9C];
	s0 =	simm.s32 @p1 $0x1  }
0x15: {  	[smem:$0x3FB9] =	sst s0;
	s0 =	simm.s32 @!p2 $0x0  }
0x16: {  	s3 =	sld [smem:$0x3FDB];
	s0 =	simm.s32 @p2 $0x1  }
0x17: {  	s4 =	simm.s32 $0x1BF5;
	[smem:$0x3FBB] =	sst s0  }
0x18: {  	s0 =	sld [smem:$0x3F9E];
	_ =	swait.ge [sflag:s4], $0x0  }
0x19: {  	s7 =	sld [smem:$0x3F9F]  }
0x1a: {  	s8 =	sadd.s32 $0xFFFFE003, lr  }
0x1b: {  	s9 =	sadd.s32 $0xFFFFFEF7, lr;
	s5 =	simm.s32 $0xFFFFFFFF;
	p2 =	slt.u32 s8, $0xFFFFF086  }
0x1c: {  	p1 =	slt.u32 s9, $0xF7A;
	s5 =	simm.s32 @!p2 $0x0  }
0x1d: {  	s5 =	simm.s32 @p1 $0x1;
	p0 =	seq.s32 s7, s2  }
0x1e: {  	s7 =	smul.u32 @!p0 $0xF7A, s2;
	p2 =	seq.s32 @!p0 s5, $0x0  }
0x1f: {  	s9 =	smul.u32 $0xF7A, s1;
	s8 =	simm.s32 @!p0 $0x1BF5;
	p2 =	por !p2, p0  }
0x20: {  	[sflag:s8] =	ssyncset.s32 @!p0 $0xFFFFF086;
	s6 =	sadd.s32 @!p0 s3, s7;
	s7 =	simm.s32 @!p0 $0x108  }
0x21: {  	s3 =	sadd.s32 s3, s9;
	s6 =	sadd.s32 @!p0 $0x88, s6;
	s7 =	simm.s32 @p2 $0x1082  }
0x22: {  	[simem:s7], [sflag:s8] =	dma.local @!p0 [hbm:s6], $0xF7A  }
0x23: {  	s9 =	sor.u32 $0xD0000000, s2;
	s6 =	simm.s32 $0x108;
	_ =	swait.ge @!p0 [sflag:s8], $0x0  }
0x24: {  	s3 =	sadd.s32 $0x88, s3;
	s6 =	simm.s32 @!p1 $0x1082;
	[sflag:s4] =	ssyncset.s32 $0xFFFFF086  }
0x25: {  	[simem:s6], [sflag:s4] =	dma.local [hbm:s3], $0xF7A  }
0x26: {  	[smem:$0x3F9F] =	sst s1;
	(tag) =	ssettag s2;
	_ =	strace s9  }
0x27: {  	s1 =	sld [smem:$0x3FAF]  }
0x28: {  	s2 =	sld [smem:$0x3FB0]  }
0x29: {  	s4 =	sld [smem:$0x3FB2]  }
0x2a: {  	p0 =	seq.s32 s5, $0x0;
	s5 =	sld [smem:$0x3FB3]  }
0x2b: {  	s6 =	sld [smem:$0x3FB4]  }
0x2c: {  	s7 =	sld [smem:$0x3FB5]  }
0x2d: {  	s3 =	simm.s32 $0x108;
	s8 =	sld [smem:$0x3FB6]  }
0x2e: {  	s3 =	simm.s32 @!p0 $0x1082;
	s9 =	sld [smem:$0x3FB7]  }
0x2f: {  	lr =	sadd.s32 s0, s3;
	s0 =	sld [smem:$0x3FAE]  }
0x30: {  	s3 =	sld [smem:$0x3FB1]  }
0x31: {  	[smem:$0x3FBA] =	sst s10  }
0x32: {  	s10 =	sld [smem:$0x3FB8];
	_ =	sdelay $0x3  }
0x33: {  	p0 =	seq.s32 s10, $0x1;
	s10 =	sld [smem:$0x3FBA];
	_ =	sdelay $0x3  }
0x34: {  	[smem:$0x3FBA] =	sst s10  }
0x35: {  	s10 =	sld [smem:$0x3FB9];
	_ =	sdelay $0x3  }
0x36: {  	p1 =	seq.s32 s10, $0x1;
	s10 =	sld [smem:$0x3FBA];
	_ =	sdelay $0x3  }
0x37: {  	[smem:$0x3FBA] =	sst s10  }
0x38: {  	s10 =	sld [smem:$0x3FBB]  }
0x39: {  	_ = 	snop;
	(pc) =	sbr.ind lr, $3  }
0x3a: {  	_ = 	snop  }
0x3b: {  	_ = 	snop  }
0x3c: {  	p2 =	seq.s32 s10, $0x1;
	s10 =	sld [smem:$0x3FBA]  }
0x3d: {  	_ =	shalt  }
0x3e: {  	_ =	shalt  }
0x3f: {  	_ =	shalt  }
0x40: {  	_ =	shalt  }
0x41: {  	_ =	shalt  }
0x42: {  	_ =	shalt  }
0x43: {  	_ =	shalt  }
0x44: {  	_ =	shalt  }
0x45: {  	_ =	shalt  }
0x46: {  	_ =	shalt  }
0x47: {  	_ =	shalt  }
0x48: {  	_ =	shalt  }
0x49: {  	_ =	shalt  }
0x4a: {  	_ =	shalt  }
0x4b: {  	_ =	shalt  }
0x4c: {  	_ =	shalt  }
0x4d: {  	_ =	shalt  }
0x4e: {  	_ =	shalt  }
0x4f: {  	_ =	shalt  }
0x50: {  	_ =	shalt  }
0x51: {  	_ =	shalt  }
0x52: {  	_ =	shalt  }
0x53: {  	_ =	shalt  }
0x54: {  	_ =	shalt  }
0x55: {  	_ =	shalt  }
0x56: {  	_ =	shalt  }
0x57: {  	_ =	shalt  }
0x58: {  	_ =	shalt  }
0x59: {  	_ =	shalt  }
0x5a: {  	_ =	shalt  }
0x5b: {  	_ =	shalt  }
0x5c: {  	_ =	shalt  }
0x5d: {  	_ =	shalt  }
0x5e: {  	_ =	shalt  }
0x5f: {  	_ =	shalt  }
0x60: {  	_ =	shalt  }
0x61: {  	_ =	shalt  }
0x62: {  	_ =	shalt  }
0x63: {  	_ =	shalt  }
0x64: {  	_ =	shalt  }
0x65: {  	_ =	shalt  }
0x66: {  	_ =	shalt  }
0x67: {  	_ =	shalt  }
0x68: {  	_ =	shalt  }
0x69: {  	_ =	shalt  }
0x6a: {  	_ =	shalt  }
0x6b: {  	_ =	shalt  }
0x6c: {  	_ =	shalt  }
0x6d: {  	_ =	shalt  }
0x6e: {  	_ =	shalt  }
0x6f: {  	_ =	shalt  }
0x70: {  	_ =	shalt  }
0x71: {  	_ =	shalt  }
0x72: {  	_ =	shalt  }
0x73: {  	_ =	shalt  }
0x74: {  	_ =	shalt  }
0x75: {  	_ =	shalt  }
0x76: {  	_ =	shalt  }
0x77: {  	_ =	shalt  }
0x78: {  	_ =	shalt  }
0x79: {  	_ =	shalt  }
0x7a: {  	_ =	shalt  }
0x7b: {  	_ =	shalt  }
0x7c: {  	_ =	shalt  }
0x7d: {  	_ =	shalt  }
0x7e: {  	_ =	shalt  }
0x7f: {  	_ =	shalt  }
0x80: {  	_ =	shalt  }
0x81: {  	_ =	shalt  }
0x82: {  	_ =	shalt  }
0x83: {  	_ =	shalt  }
0x84: {  	_ =	shalt  }
0x85: {  	_ =	shalt  }
0x86: {  	_ =	shalt  }
0x87: {  	_ =	shalt  }
.Lfunc_end0:
.L_simem_size_0:
called_computation_lowered:
.L_overlay_start_0:
0x88: {  	s2 =	sld [smem:$0x3FD9]  }
0x89: {  	s3 =	sld [smem:$0x3FFE];
	_ =	sdelay $0x1  }
0x8a: {  	s1 =	srdreg.scid  }
0x8b: {  	s0 =	sand.u32 $0x1, s1  }
0x8c: {  	s16 =	sshll.u32 s0, $0xA;
	s2 =	sadd.s32 s3, s2  }
0x8d: {  	s2 =	sadd.s32 s2, s16  }
0x8e: {  	[smem:$0x3FC6] =	sst s2  }
0x8f: {  	_ = 	snop  }
0x90: {  	(tm) =	ssettm $0x1  }
0x91: {  	s17 =	sld [smem:$0x3FFB];
	_ =	sdelay $0x3  }
0x92: {  	_ =	strace s17  }
0x93: {  	s2 =	sld [smem:$0x3FFC];
	_ =	sdelay $0x3  }
0x94: {  	_ =	strace s2  }
0x95: {  	s2 =	sld [smem:$0x3FFD];
	_ =	sdelay $0x3  }
0x96: {  	_ =	strace s2  }
0x97: {  	_ =	strace $0x8FFFFFFF  }
0x98: {  	s18 =	sld [smem:$0x3FDB];
	_ =	sdelay $0x1  }
0x99: {  	s19 =	simm.s32 $_scs_section_size  }
0x9a: {  	s4 =	simm.s32 $_size__tile_overlayer_lowered;
	s5 =	simm.s32 $_tile_overlayer_lowered  }
0x9b: {  	s22 =	simm.s32 $0x1BFF;
	s21 =	sshll.u32 s5, $0x1;
	s2 =	sadd.s32 s19, s18  }
0x9c: {  	s6 =	simm.s32 $0x0;
	s20 =	sshll.u32 s4, $0x1;
	s4 =	sadd.s32 s21, s2  }
0x9d: {  	[timem:s6], [sflag:s22] =	dma.local [hbm:s4], s20  }
0x9e: {  	_ =	swait.ge [sflag:s22], s20  }
0x9f: {  	s3 =	ssub.s32 $0x0, s20;
	[sflag:s22] =	ssyncset.done $0x0  }
0xa0: {  	[sflag:s22] =	ssyncadd.s32 s3;
	_ =	sdelay $0x1  }
0xa1: {  	s23 =	simm.s32 $0x1B8B  }
0xa2: {  	_ =	swait.ge [sflag:s23], $0x1  }
0xa3: {  	[sflag:s23] =	ssyncset.done $0x0  }
0xa4: {  	s25 =	simm.s32 $0x1B8E;
	s24 =	sld [smem:$0x3FFE];
	[sflag:s23] =	ssyncadd.s32 $0xFFFFFFFF  }
0xa5: {  	s26 =	simm.s32 $execute0_lowered;
	[smem:$0x3FD2] =	sst s25  }
0xa6: {  	s4 =	sshll.u32 s26, $0x1;
	_ =	strace $0x80000046;
	[dreg:$0x1] =	wrdreg $0xFFFFFFFF  }
0xa7: {  	s28 =	simm.s32 $_size_execute0_lowered;
	s2 =	sadd.s32 s2, s4;
	[dreg:$0x0] =	wrdreg $0x0  }
0xa8: {  	s4 =	sshll.u32 s28, $0x1;
	[dreg:$0x2] =	wrdreg s2  }
0xa9: {  	[dreg:$0x3] =	wrdreg s4  }
0xaa: {  	[dreg:$0x4] =	wrdreg $0xC0  }
0xab: {  	_ =	task [dreg:s6], $0x5FFFF  }
0xac: {  	[dreg:$0x1] =	wrdreg $0xFFFFFFFF  }
0xad: {  	[dreg:$0x0] =	wrdreg $0x60  }
0xae: {  	[dreg:$0x2] =	wrdreg s24  }
0xaf: {  	[dreg:$0x3] =	wrdreg $0x9  }
0xb0: {  	_ =	task.clear_ibuf [dreg:s6], $0x4FFFF;
	_ =	strace $0x90000046  }
0xb1: {  	s29 =	simm.s32 $0x9;
	_ =	strace $0x80000048  }
0xb2: {  	_ =	swait.ge [sflag:s29], $0x1  }
0xb3: {  	[sflag:s29] =	ssyncadd.s32 $0xFFFFFFFF  }
0xb4: {  	_ =	strace $0x90000048  }
0xb5: {  	_ =	sfence  }
0xb6: {  	s30 =	sld [smem:$0x0];
	_ =	sdelay $0x2  }
0xb7: {  	s31 =	sshll.u32 s1, $0xD;
	s1 =	sshrl.u32 s1, $0x2  }
0xb8: {  	s3 =	sand.u32 $0x4000, s31;
	s1 =	sadd.s32 s1, s30  }
0xb9: {  	s0 =	sor.u32 s3, s0;
	s1 =	sshll.u32 s1, $0x11  }
0xba: {  	s0 =	sor.u32 s1, s0  }
0xbb: {  	s0 =	sadd.s32 $0x8F2B, s0  }
0xbc: {  	[sflag:s0] =	ssyncadd.remote.s32 $0x1  }
0xbd: {  	_ =	sfence.sel $0xFFFF  }
0xbe: {  	[dreg:$0x0] =	wrdreg $0xFFFFFFFF;
	(pc) =	sbr.abs _section_cstart, $3  }
0xbf: {  	[dreg:$0x1] =	wrdreg $0xFFFFFFFF  }
0xc0: {  	_ =	task.clear_ibuf [dreg:s6], $0x2FFFF;
	_ =	strace $0x9FFFFFFF  }
0xc1: {  	(tm) =	ssettm $0x7FFFFFFF  }
tec
execute0_lowered:
.L_overlay_start_1:
0x0: {  	(tag) =	ssettag $0x1  }
0x1: {  	s1 =	srdreg.scid  }
0x2: {  	s0 =	stileid.u32;
	s12 =	sand.u32 $0x1, s1  }
0x3: {  	s30 =	sshll.u32 s0, $0xA;
	s2 =	sshll.u32 s12, $0x9  }
0x4: {  	s14 =	rddreg [dreg:$0x0];
	s15 =	sor.u32 s2, s30  }
0x5: {  	s1 =	rddreg [dreg:$0x1];
	s2 =	simm.s32 $0x0;
	s3 =	sshrl.u32 s15, $0x3  }
0x6: {  	[smem:$0x7FF] =	sst s2;
	s3 =	sadd.s32 s3, s14  }
0x7: {  	_ =	strace $0x80000047;
	s4 =	sadd.s32 $0x4800, s3;
	s3 =	simm.s32 $0x2  }
0x8: {  	[tilespmem:s2], [sflag:$0x2] =	stream.linear.gather [hbm4b:s4+s2], $0x200, $0x38;
	[tilespmem:$0x1200] =	vst v63  }
0x9: {  	_ =	swait.ge [sflag:s3], $0x200  }
0xa: {  	s6 =	simm.s32 $0x80;
	s7 =	simm.s32 $0x200;
	[sflag:s3] =	ssyncset.done $0x0  }
0xb: {  	s8 =	simm.s32 $0x1;
	s5 =	sadd.s32 $0x800, s14;
	[sflag:s3] =	ssyncadd.s32 $0xFFFFFE00  }
0xc: {  	[tilespmem:s7], [sflag:$0x1] =	stream.indirect.gather [hbm4b:s5+s6], $0x8, s2, s6, $0xb8;
	[tilespmem:$0x1200] =	vst v63  }
0xd: {  	_ =	swait.ge [sflag:s8], $0x400  }
0xe: {  	[sflag:s8] =	ssyncset.done $0x0  }
0xf: {  	s9 =	simm.s32 $0x600;
	[sflag:s8] =	ssyncadd.s32 $0xFFFFFC00  }
0x10: {  	[tilespmem:s9], [sflag:$0x1] =	stream.indirect.gather [hbm4b:s5+s6], $0x8, s6, s6, $0xb8;
	[tilespmem:$0x1200] =	vst v63  }
0x11: {  	_ =	swait.ge [sflag:s8], $0x400  }
0x12: {  	s10 =	simm.s32 $0x100;
	[sflag:s8] =	ssyncset.done $0x0  }
0x13: {  	s11 =	simm.s32 $0xA00;
	s16 =	ssub.s32 $0x2, s12;
	[sflag:s8] =	ssyncadd.s32 $0xFFFFFC00  }
0x14: {  	[tilespmem:s11], [sflag:$0x1] =	stream.indirect.gather [hbm4b:s5+s6], $0x8, s10, s6, $0xb8;
	[tilespmem:$0x1200] =	vst v63  }
0x15: {  	s13 =	simm.s32 $0xE00;
	s17 =	sshrl.u32 s16, $0x1;
	_ =	swait.ge [sflag:s8], $0x400  }
0x16: {  	s12 =	simm.s32 $0x180;
	s31 =	ssub.s32 s16, s17;
	[sflag:s8] =	ssyncset.done $0x0  }
0x17: {  	s14 =	sadd.s32 s15, s14;
	s15 =	smax.u32 s31, $0x1;
	[sflag:s8] =	ssyncadd.s32 $0xFFFFFC00  }
0x18: {  	[tilespmem:s13], [sflag:$0x1] =	stream.indirect.gather [hbm4b:s5+s6], $0x8, s12, s6, $0xb8;
	[tilespmem:$0x1200] =	vst v63  }
0x19: {  	p0 =	sne.s32 s15, $0x1;
	_ =	swait.ge [sflag:s8], $0x400  }
.Ltmp0:
0x1a: {  	[sflag:s8] =	ssyncset.done $0x0;
	(pc) =	sbr.rel @!p0 .LBB2_2-.Ltmp0, $4  }
0x1b: {  	s14 =	sadd.s32 $0x5000, s14;
	[sflag:s8] =	ssyncadd.s32 $0xFFFFFC00  }
0x1c: {  	[hbm4b:s14+s2] =	stream.linear.scatter [tilespmem:s7], [sflag:$0x2], $0x1000, $0x38;
	[tilespmem:$0x1200] =	vst v63  }
0x1d: {  	_ =	swait.ge [sflag:s3], $0x1000  }
0x1e: {  	s15 =	sadd.s32 $0xFFFFFFFF, s15;
	[sflag:s3] =	ssyncset.done $0x0  }
.LBB2_1:
0x1f: {  	p0 =	sne.s32 s15, $0x1;
	s15 =	sadd.s32 $0xFFFFFFFF, s15;
	[sflag:s3] =	ssyncadd.s32 $0xFFFFF000  }
0x20: {  	[tilespmem:s2], [sflag:$0x2] =	stream.linear.gather [hbm4b:s4+s2], $0x200, $0x38;
	[tilespmem:$0x1200] =	vst v63  }
0x21: {  	_ =	swait.ge [sflag:s3], $0x200  }
0x22: {  	[sflag:s3] =	ssyncset.done $0x0  }
0x23: {  	[sflag:s3] =	ssyncadd.s32 $0xFFFFFE00  }
0x24: {  	[tilespmem:s7], [sflag:$0x1] =	stream.indirect.gather [hbm4b:s5+s6], $0x8, s2, s6, $0xb8;
	[tilespmem:$0x1200] =	vst v63  }
0x25: {  	_ =	swait.ge [sflag:s8], $0x400  }
0x26: {  	[sflag:s8] =	ssyncset.done $0x0  }
0x27: {  	[sflag:s8] =	ssyncadd.s32 $0xFFFFFC00  }
0x28: {  	[tilespmem:s9], [sflag:$0x1] =	stream.indirect.gather [hbm4b:s5+s6], $0x8, s6, s6, $0xb8;
	[tilespmem:$0x1200] =	vst v63  }
0x29: {  	_ =	swait.ge [sflag:s8], $0x400  }
0x2a: {  	[sflag:s8] =	ssyncset.done $0x0  }
0x2b: {  	[sflag:s8] =	ssyncadd.s32 $0xFFFFFC00  }
0x2c: {  	[tilespmem:s11], [sflag:$0x1] =	stream.indirect.gather [hbm4b:s5+s6], $0x8, s10, s6, $0xb8;
	[tilespmem:$0x1200] =	vst v63  }
0x2d: {  	_ =	swait.ge [sflag:s8], $0x400  }
0x2e: {  	[sflag:s8] =	ssyncset.done $0x0  }
0x2f: {  	[sflag:s8] =	ssyncadd.s32 $0xFFFFFC00  }
0x30: {  	[tilespmem:s13], [sflag:$0x1] =	stream.indirect.gather [hbm4b:s5+s6], $0x8, s12, s6, $0xb8;
	[tilespmem:$0x1200] =	vst v63  }
0x31: {  	_ =	swait.ge [sflag:s8], $0x400  }
.Ltmp1:
0x32: {  	[sflag:s8] =	ssyncset.done $0x0;
	(pc) =	sbr.rel @p0 .LBB2_1-.Ltmp1, $4  }
0x33: {  	[sflag:s8] =	ssyncadd.s32 $0xFFFFFC00  }
0x34: {  	[hbm4b:s14+s2] =	stream.linear.scatter [tilespmem:s7], [sflag:$0x2], $0x1000, $0x38;
	[tilespmem:$0x1200] =	vst v63  }
0x35: {  	_ =	swait.ge [sflag:s3], $0x1000  }
0x36: {  	[sflag:s3] =	ssyncset.done $0x0  }
.LBB2_2:
0x37: {  	[sflag:s3] =	ssyncadd.s32 $0xFFFFF000  }
0x38: {  	_ =	sfence.sel $0x180000  }
0x39: {  	[bflag:$0x0] =	sbarrier.arrive $0xFFFF  }
0x3a: {  	p0 =	sne.s32 s0, $0x0;
	_ =	strace $0x90000047  }
0x3b: {  	s0 =	sadd.s32 @!p0 $0x100000, s1;
	[bflag:$0x2] =	sbarrier.arrive $0xFFFF  }
0x3c: {  	[sflag:s0] =	ssyncadd.tile.s32 @!p0 $0x1;
	_ =	shalt  }
.Lfunc_end2:
_tile_overlayer_lowered:
.L_overlay_start_2:
0x3d: {  	(tag) =	ssettag $0x2  }
0x3e: {  	s0 =	rddreg [dreg:$0x0];
	s2 =	stileid.u32  }
0x3f: {  	s1 =	rddreg [dreg:$0x1];
	p0 =	sne.s32 s2, $0x0  }
0x40: {  	s3 =	rddreg [dreg:$0x2];
	[bflag:$0x3] =	sbarrier.arrive $0xFFFF;
	s2 =	simm.s32 @!p0 $0x1C02  }
0x41: {  	[timem:s3], [sflag:s2] =	dma.local @!p0 [hbm:s0], s1  }
0x42: {  	s0 =	simm.s32 @!p0 $0x2  }
0x43: {  	_ =	swait.ge @!p0 [sflag:s0], s1  }
0x44: {  	s1 =	ssub.s32 @!p0 $0x0, s1;
	[sflag:s0] =	ssyncset.done @!p0 $0x0  }
0x45: {  	[sflag:s0] =	ssyncadd.s32 @!p0 s1  }
0x46: {  	[bflag:$0x3] =	sbarrier.arrive $0xFFFF  }
0x47: {  	_ =	shalt  }

</sc_bundles>
